<compile_context>
chip_gen: v7x
topology: tpu7x:2x2x1
jax: 0.10.2.dev20260603
libtpu: 0.0.44.dev20260713+nightly
codegen_flags: <defaults>
</compile_context>

<pallas_src>
import functools

import jax
import jax.numpy as jnp
from jax import lax
from jax.experimental import pallas as pl
from jax.experimental.pallas import tpu as pltpu
from jax.experimental.pallas import tpu_sc as plsc

E = 8
K = 2
D = 1024
N = 8192
BN = 1024


def _topk2_ids_sc(logits):
    mesh = plsc.VectorSubcoreMesh(core_axis_name="c", subcore_axis_name="s")

    @functools.partial(
        pl.kernel,
        out_type=jax.ShapeDtypeStruct((16,), jnp.int32),
        mesh=mesh,
        scratch_types=[
            pltpu.VMEM((16,), jnp.float32),
            pltpu.VMEM((16,), jnp.int32),
        ],
    )
    def topk_kernel(logits_hbm, ids_hbm, logits_v, ids_v):
        cid = lax.axis_index("c")
        sid = lax.axis_index("s")

        @pl.when(jnp.logical_and(cid == 0, sid == 0))
        def _():
            pltpu.sync_copy(logits_hbm, logits_v.at[pl.ds(0, E)])
            keys = logits_v[...]
            neg_inf = jnp.float32(-jnp.inf)
            m1, i1 = neg_inf, jnp.int32(0)
            m2, i2 = neg_inf, jnp.int32(0)
            for j in range(E):
                v = keys[j]
                gt1 = v > m1
                gt2 = v > m2
                n_m2 = jnp.where(gt1, m1, jnp.where(gt2, v, m2))
                n_i2 = jnp.where(gt1, i1, jnp.where(gt2, jnp.int32(j), i2))
                m1 = jnp.where(gt1, v, m1)
                i1 = jnp.where(gt1, jnp.int32(j), i1)
                m2, i2 = n_m2, n_i2
            iota = lax.iota(jnp.int32, 16)
            ids_v[...] = jnp.where(iota == 0, i1,
                                   jnp.where(iota == 1, i2, 0))
            pltpu.sync_copy(ids_v, ids_hbm)

    return topk_kernel(logits)


def _mixed_op_tc(ids, x, W, b):

    b3 = b.reshape(E, 1, D)

    def body(ids_ref, x_ref, w0_ref, w1_ref, b0_ref, b1_ref, o_ref):
        xv = x_ref[...]
        r0 = jnp.dot(xv, w0_ref[0], preferred_element_type=jnp.float32)
        r1 = jnp.dot(xv, w1_ref[0], preferred_element_type=jnp.float32)
        r0 = jnp.maximum(r0 + b0_ref[0, 0], 0.0)
        r1 = jnp.maximum(r1 + b1_ref[0, 0], 0.0)
        o_ref[...] = r0 + r1

    grid_spec = pltpu.PrefetchScalarGridSpec(
        num_scalar_prefetch=1,
        grid=(N // BN,),
        in_specs=[
            pl.BlockSpec((BN, D), lambda i, ids: (i, 0),
                         pipeline_mode=pl.Buffered(buffer_count=2)),
            pl.BlockSpec((1, D, D), lambda i, ids: (ids[0], 0, 0),
                         pipeline_mode=pl.Buffered(buffer_count=1)),
            pl.BlockSpec((1, D, D), lambda i, ids: (ids[1], 0, 0),
                         pipeline_mode=pl.Buffered(buffer_count=1)),
            pl.BlockSpec((1, 1, D), lambda i, ids: (ids[0], 0, 0),
                         pipeline_mode=pl.Buffered(buffer_count=1)),
            pl.BlockSpec((1, 1, D), lambda i, ids: (ids[1], 0, 0),
                         pipeline_mode=pl.Buffered(buffer_count=1)),
        ],
        out_specs=pl.BlockSpec((BN, D), lambda i, ids: (i, 0),
                               pipeline_mode=pl.Buffered(buffer_count=2)),
    )
    return pl.pallas_call(
        body,
        grid_spec=grid_spec,
        out_shape=jax.ShapeDtypeStruct((N, D), jnp.float32),
    )(ids, x, W, W, b3, b3)


def kernel(x, logits, W, b):
    ids = _topk2_ids_sc(logits)
    return _mixed_op_tc(ids, x, W, b)

# --- scband reference (transcript-rebuilt; emitter-appended) ---
"""Pipeline reference for scband-mixed-op-63024350101901 (READ-ONLY COPY).

The authoritative reference and input builder live on the scoring server;
editing this copy changes nothing except your own understanding.
"""

import jax, jax.numpy as jnp
import numpy as np

E = 8   # number of candidate operations (experts)
K = 2   # num_on_samples (top-k ops kept)
D = 1024  # d_model
N = 8192  # tokens = batch(2) * seq_len(4096)


def setup_inputs(seed: int = 0) -> dict:
    key = jax.random.key(seed)
    k1, k2, k3 = jax.random.split(key, 3)
    x = jax.random.normal(k1, (N, D), dtype=jnp.float32)
    # architecture logits (tf.Variable(0.001 * tf.random.normal(shape=(num_ops,))))
    logits = 0.001 * jax.random.normal(k2, (E,), dtype=jnp.float32)
    # each candidate op is a Dense(D->D) + ReLU layer; stack weights per-op
    W = jax.random.normal(k3, (E, D, D), dtype=jnp.float32) * (1.0 / np.sqrt(D))
    b = jnp.zeros((E, D), dtype=jnp.float32)
    return {"x": x, "logits": logits, "W": W, "b": b}


def reference(x, logits, W, b):
    # non_stochastic_call path (training=False / trainable_architecture gate off):
    # top_k_ids = tf.math.top_k(self._logits, k=self._num_on_samples).indices
    _, top_k_ids = jax.lax.top_k(logits, K)
    # evaluate_operations_partially: run only the selected ops on x
    Wk = jnp.take(W, top_k_ids, axis=0)   # [K, D, D] gather of expert weights
    bk = jnp.take(b, top_k_ids, axis=0)   # [K, D]
    op_results = jax.nn.relu(jnp.einsum('nd,kdh->knh', x, Wk) + bk[:, None, :])  # [K, N, D]
    # result = tf.reduce_sum(op_results, axis=0)
    result = jnp.sum(op_results, axis=0)
    return result

if __name__ == "__main__":
    import jax
    _d = setup_inputs()
    print(jax.jit(kernel)(*tuple(_d.values())))

</pallas_src>

<mosaic_0001>
#map = affine_map<(d0, d1) -> (0)>
module attributes {stable_mosaic.version = 14 : i64} {
  func.func @topk_kernel(%arg0: i32, %arg1: i32, %arg2: memref<8xf32, #tpu.memory_space<hbm>>, %arg3: memref<16xi32, #tpu.memory_space<hbm>>, %arg4: memref<16xf32, #tpu.memory_space<vmem>>, %arg5: memref<16xi32, #tpu.memory_space<vmem>>) attributes {dimension_semantics = [#tpu.dimension_semantics<core_parallel>, #tpu.dimension_semantics<subcore_parallel>], iteration_bounds = array<i64: 2, 16>, scalar_prefetch = 0 : i64, scratch_operands = 2 : i64, tpu.core_type = #tpu.core_type<sc_vector_subcore>, window_params = [{transform_indices = #map}, {transform_indices = #map}]} {
    %eq3A = arith.constant 0 : i32
    %eq3A_0 = arith.cmpi eq, %arg0, %eq3A : i32
    %eq3A_1 = arith.constant 0 : i32
    %eq3A_2 = arith.cmpi eq, %arg1, %eq3A_1 : i32
    %and3A = arith.andi %eq3A_0, %eq3A_2 : i1
    %convert_element_type3A = arith.extui %and3A : i1 to i32
    %cond3A = arith.constant 0 : i32
    %cond3A_3 = arith.cmpi ne, %convert_element_type3A, %cond3A : i32
    scf.if %cond3A_3 {
      "tpu.region"() ({
        %run_scoped3A = tpu.sem_alloc : memref<!tpu.dma_semaphore, #tpu.memory_space<semaphore_mem>>
        %dma_start3A = arith.constant 0 : i32
        %dma_start3A_119 = tpu.memref_slice %arg4[%dma_start3A] : memref<16xf32, #tpu.memory_space<vmem>> -> memref<8xf32, #tpu.memory_space<vmem>>
        %dma_start3A_120 = arith.constant 0 : i32
        %dma_start3A_121 = tpu.memref_slice %arg4[%dma_start3A_120] : memref<16xf32, #tpu.memory_space<vmem>> -> memref<8xf32, #tpu.memory_space<vmem>>
        tpu.enqueue_dma source(%arg2 : memref<8xf32, #tpu.memory_space<hbm>>) target(%dma_start3A_121 : memref<8xf32, #tpu.memory_space<vmem>>) target_semaphore(%run_scoped3A : memref<!tpu.dma_semaphore, #tpu.memory_space<semaphore_mem>>)
        %dma_wait3A = arith.constant 0 : i32
        %dma_wait3A_122 = tpu.memref_slice %arg4[%dma_wait3A] : memref<16xf32, #tpu.memory_space<vmem>> -> memref<8xf32, #tpu.memory_space<vmem>>
        %dma_wait3A_123 = arith.constant 0 : i32
        %dma_wait3A_124 = tpu.memref_slice %arg4[%dma_wait3A_123] : memref<16xf32, #tpu.memory_space<vmem>> -> memref<8xf32, #tpu.memory_space<vmem>>
        tpu.wait_dma2 semaphore(%run_scoped3A : memref<!tpu.dma_semaphore, #tpu.memory_space<semaphore_mem>>) src(%arg2 : memref<8xf32, #tpu.memory_space<hbm>>) dst(%dma_wait3A_124 : memref<8xf32, #tpu.memory_space<vmem>>)
        tpu.yield
      }) : () -> ()
      %get3A = arith.constant 0 : index
      %get3A_4 = tpu.vector_load %arg4[%get3A] {strides = array<i32>} : memref<16xf32, #tpu.memory_space<vmem>>, vector<16xf32>,
      %get3A_5 = vector.shape_cast %get3A_4 : vector<16xf32> to vector<16xf32>
      %slice3A = vector.extract_strided_slice %get3A_5 {offsets = [0], sizes = [1], strides = [1]} : vector<16xf32> to vector<1xf32>
      %squeeze3A = vector.extract %slice3A[0] : f32 from vector<1xf32>
      %gt3A = arith.constant 0xFF800000 : f32
      %gt3A_6 = arith.cmpf ogt, %squeeze3A, %gt3A : f32
      %gt3A_7 = arith.constant 0xFF800000 : f32
      %gt3A_8 = arith.cmpf ogt, %squeeze3A, %gt3A_7 : f32
      %jit3A = arith.constant 0xFF800000 : f32
      %select_n3A = arith.select %gt3A_8, %squeeze3A, %jit3A : f32
      %jit3A_9 = arith.constant 0xFF800000 : f32
      %select_n3A_10 = arith.select %gt3A_6, %jit3A_9, %select_n3A : f32
      %jit3A_11 = arith.constant 0 : i32
      %jit3A_12 = arith.constant 0 : i32
      %select_n3A_13 = arith.select %gt3A_8, %jit3A_11, %jit3A_12 : i32
      %jit3A_14 = arith.constant 0 : i32
      %select_n3A_15 = arith.select %gt3A_6, %jit3A_14, %select_n3A_13 : i32
      %jit3A_16 = arith.constant 0xFF800000 : f32
      %select_n3A_17 = arith.select %gt3A_6, %squeeze3A, %jit3A_16 : f32
      %jit3A_18 = arith.constant 0 : i32
      %jit3A_19 = arith.constant 0 : i32
      %select_n3A_20 = arith.select %gt3A_6, %jit3A_18, %jit3A_19 : i32
      %slice3A_21 = vector.extract_strided_slice %get3A_5 {offsets = [1], sizes = [1], strides = [1]} : vector<16xf32> to vector<1xf32>
      %squeeze3A_22 = vector.extract %slice3A_21[0] : f32 from vector<1xf32>
      %gt3A_23 = arith.cmpf ogt, %squeeze3A_22, %select_n3A_17 : f32
      %gt3A_24 = arith.cmpf ogt, %squeeze3A_22, %select_n3A_10 : f32
      %select_n3A_25 = arith.select %gt3A_24, %squeeze3A_22, %select_n3A_10 : f32
      %select_n3A_26 = arith.select %gt3A_23, %select_n3A_17, %select_n3A_25 : f32
      %jit3A_27 = arith.constant 1 : i32
      %select_n3A_28 = arith.select %gt3A_24, %jit3A_27, %select_n3A_15 : i32
      %select_n3A_29 = arith.select %gt3A_23, %select_n3A_20, %select_n3A_28 : i32
      %select_n3A_30 = arith.select %gt3A_23, %squeeze3A_22, %select_n3A_17 : f32
      %jit3A_31 = arith.constant 1 : i32
      %select_n3A_32 = arith.select %gt3A_23, %jit3A_31, %select_n3A_20 : i32
      %slice3A_33 = vector.extract_strided_slice %get3A_5 {offsets = [2], sizes = [1], strides = [1]} : vector<16xf32> to vector<1xf32>
      %squeeze3A_34 = vector.extract %slice3A_33[0] : f32 from vector<1xf32>
      %gt3A_35 = arith.cmpf ogt, %squeeze3A_34, %select_n3A_30 : f32
      %gt3A_36 = arith.cmpf ogt, %squeeze3A_34, %select_n3A_26 : f32
      %select_n3A_37 = arith.select %gt3A_36, %squeeze3A_34, %select_n3A_26 : f32
      %select_n3A_38 = arith.select %gt3A_35, %select_n3A_30, %select_n3A_37 : f32
      %jit3A_39 = arith.constant 2 : i32
      %select_n3A_40 = arith.select %gt3A_36, %jit3A_39, %select_n3A_29 : i32
      %select_n3A_41 = arith.select %gt3A_35, %select_n3A_32, %select_n3A_40 : i32
      %select_n3A_42 = arith.select %gt3A_35, %squeeze3A_34, %select_n3A_30 : f32
      %jit3A_43 = arith.constant 2 : i32
      %select_n3A_44 = arith.select %gt3A_35, %jit3A_43, %select_n3A_32 : i32
      %slice3A_45 = vector.extract_strided_slice %get3A_5 {offsets = [3], sizes = [1], strides = [1]} : vector<16xf32> to vector<1xf32>
      %squeeze3A_46 = vector.extract %slice3A_45[0] : f32 from vector<1xf32>
      %gt3A_47 = arith.cmpf ogt, %squeeze3A_46, %select_n3A_42 : f32
      %gt3A_48 = arith.cmpf ogt, %squeeze3A_46, %select_n3A_38 : f32
      %select_n3A_49 = arith.select %gt3A_48, %squeeze3A_46, %select_n3A_38 : f32
      %select_n3A_50 = arith.select %gt3A_47, %select_n3A_42, %select_n3A_49 : f32
      %jit3A_51 = arith.constant 3 : i32
      %select_n3A_52 = arith.select %gt3A_48, %jit3A_51, %select_n3A_41 : i32
      %select_n3A_53 = arith.select %gt3A_47, %select_n3A_44, %select_n3A_52 : i32
      %select_n3A_54 = arith.select %gt3A_47, %squeeze3A_46, %select_n3A_42 : f32
      %jit3A_55 = arith.constant 3 : i32
      %select_n3A_56 = arith.select %gt3A_47, %jit3A_55, %select_n3A_44 : i32
      %slice3A_57 = vector.extract_strided_slice %get3A_5 {offsets = [4], sizes = [1], strides = [1]} : vector<16xf32> to vector<1xf32>
      %squeeze3A_58 = vector.extract %slice3A_57[0] : f32 from vector<1xf32>
      %gt3A_59 = arith.cmpf ogt, %squeeze3A_58, %select_n3A_54 : f32
      %gt3A_60 = arith.cmpf ogt, %squeeze3A_58, %select_n3A_50 : f32
      %select_n3A_61 = arith.select %gt3A_60, %squeeze3A_58, %select_n3A_50 : f32
      %select_n3A_62 = arith.select %gt3A_59, %select_n3A_54, %select_n3A_61 : f32
      %jit3A_63 = arith.constant 4 : i32
      %select_n3A_64 = arith.select %gt3A_60, %jit3A_63, %select_n3A_53 : i32
      %select_n3A_65 = arith.select %gt3A_59, %select_n3A_56, %select_n3A_64 : i32
      %select_n3A_66 = arith.select %gt3A_59, %squeeze3A_58, %select_n3A_54 : f32
      %jit3A_67 = arith.constant 4 : i32
      %select_n3A_68 = arith.select %gt3A_59, %jit3A_67, %select_n3A_56 : i32
      %slice3A_69 = vector.extract_strided_slice %get3A_5 {offsets = [5], sizes = [1], strides = [1]} : vector<16xf32> to vector<1xf32>
      %squeeze3A_70 = vector.extract %slice3A_69[0] : f32 from vector<1xf32>
      %gt3A_71 = arith.cmpf ogt, %squeeze3A_70, %select_n3A_66 : f32
      %gt3A_72 = arith.cmpf ogt, %squeeze3A_70, %select_n3A_62 : f32
      %select_n3A_73 = arith.select %gt3A_72, %squeeze3A_70, %select_n3A_62 : f32
      %select_n3A_74 = arith.select %gt3A_71, %select_n3A_66, %select_n3A_73 : f32
      %jit3A_75 = arith.constant 5 : i32
      %select_n3A_76 = arith.select %gt3A_72, %jit3A_75, %select_n3A_65 : i32
      %select_n3A_77 = arith.select %gt3A_71, %select_n3A_68, %select_n3A_76 : i32
      %select_n3A_78 = arith.select %gt3A_71, %squeeze3A_70, %select_n3A_66 : f32
      %jit3A_79 = arith.constant 5 : i32
      %select_n3A_80 = arith.select %gt3A_71, %jit3A_79, %select_n3A_68 : i32
      %slice3A_81 = vector.extract_strided_slice %get3A_5 {offsets = [6], sizes = [1], strides = [1]} : vector<16xf32> to vector<1xf32>
      %squeeze3A_82 = vector.extract %slice3A_81[0] : f32 from vector<1xf32>
      %gt3A_83 = arith.cmpf ogt, %squeeze3A_82, %select_n3A_78 : f32
      %gt3A_84 = arith.cmpf ogt, %squeeze3A_82, %select_n3A_74 : f32
      %select_n3A_85 = arith.select %gt3A_84, %squeeze3A_82, %select_n3A_74 : f32
      %select_n3A_86 = arith.select %gt3A_83, %select_n3A_78, %select_n3A_85 : f32
      %jit3A_87 = arith.constant 6 : i32
      %select_n3A_88 = arith.select %gt3A_84, %jit3A_87, %select_n3A_77 : i32
      %select_n3A_89 = arith.select %gt3A_83, %select_n3A_80, %select_n3A_88 : i32
      %select_n3A_90 = arith.select %gt3A_83, %squeeze3A_82, %select_n3A_78 : f32
      %jit3A_91 = arith.constant 6 : i32
      %select_n3A_92 = arith.select %gt3A_83, %jit3A_91, %select_n3A_80 : i32
      %slice3A_93 = vector.extract_strided_slice %get3A_5 {offsets = [7], sizes = [1], strides = [1]} : vector<16xf32> to vector<1xf32>
      %squeeze3A_94 = vector.extract %slice3A_93[0] : f32 from vector<1xf32>
      %gt3A_95 = arith.cmpf ogt, %squeeze3A_94, %select_n3A_90 : f32
      %gt3A_96 = arith.cmpf ogt, %squeeze3A_94, %select_n3A_86 : f32
      %select_n3A_97 = arith.select %gt3A_96, %squeeze3A_94, %select_n3A_86 : f32
      %select_n3A_98 = arith.select %gt3A_95, %select_n3A_90, %select_n3A_97 : f32
      %jit3A_99 = arith.constant 7 : i32
      %select_n3A_100 = arith.select %gt3A_96, %jit3A_99, %select_n3A_89 : i32
      %select_n3A_101 = arith.select %gt3A_95, %select_n3A_92, %select_n3A_100 : i32
      %select_n3A_102 = arith.select %gt3A_95, %squeeze3A_94, %select_n3A_90 : f32
      %jit3A_103 = arith.constant 7 : i32
      %select_n3A_104 = arith.select %gt3A_95, %jit3A_103, %select_n3A_92 : i32
      %iota3A = tpu.iota {dimensions = array<i32: 0>} : vector<16xi32>
      %eq3A_105 = arith.constant 0 : i32
      %eq3A_106 = vector.broadcast %eq3A_105 : i32 to vector<16xi32>
      %eq3A_107 = arith.cmpi eq, %iota3A, %eq3A_106 : vector<16xi32>
      %eq3A_108 = arith.constant 1 : i32
      %eq3A_109 = vector.broadcast %eq3A_108 : i32 to vector<16xi32>
      %eq3A_110 = arith.cmpi eq, %iota3A, %eq3A_109 : vector<16xi32>
      %jit3A_111 = arith.constant 0 : i32
      %broadcast_in_dim3A = vector.broadcast %select_n3A_101 : i32 to vector<16xi32>
      %broadcast_in_dim3A_112 = vector.broadcast %jit3A_111 : i32 to vector<16xi32>
      %select_n3A_113 = arith.select %eq3A_110, %broadcast_in_dim3A, %broadcast_in_dim3A_112 : vector<16xi1>, vector<16xi32>
      %broadcast_in_dim3A_114 = vector.broadcast %select_n3A_104 : i32 to vector<16xi32>
      %select_n3A_115 = arith.select %eq3A_107, %broadcast_in_dim3A_114, %select_n3A_113 : vector<16xi1>, vector<16xi32>
      %swap3A = arith.constant 0 : index
      %swap3A_116 = tpu.vector_load %arg5[%swap3A] {strides = array<i32>} : memref<16xi32, #tpu.memory_space<vmem>>, vector<16xi32>,
      %swap3A_117 = vector.shape_cast %swap3A_116 : vector<16xi32> to vector<16xi32>
      %swap3A_118 = vector.shape_cast %select_n3A_115 : vector<16xi32> to vector<16xi32>
      tpu.vector_store %arg5[%swap3A], %swap3A_118 {strides = array<i32>} : memref<16xi32, #tpu.memory_space<vmem>>, vector<16xi32>,
      "tpu.region"() ({
        %run_scoped3A = tpu.sem_alloc : memref<!tpu.dma_semaphore, #tpu.memory_space<semaphore_mem>>
        tpu.enqueue_dma source(%arg5 : memref<16xi32, #tpu.memory_space<vmem>>) target(%arg3 : memref<16xi32, #tpu.memory_space<hbm>>) target_semaphore(%run_scoped3A : memref<!tpu.dma_semaphore, #tpu.memory_space<semaphore_mem>>)
        tpu.wait_dma2 semaphore(%run_scoped3A : memref<!tpu.dma_semaphore, #tpu.memory_space<semaphore_mem>>) src(%arg5 : memref<16xi32, #tpu.memory_space<vmem>>) dst(%arg3 : memref<16xi32, #tpu.memory_space<hbm>>)
        tpu.yield
      }) : () -> ()
    } else {
    }
    return
  }
}

module attributes {stable_mosaic.version = 14 : i64} {
  func.func @body(%arg0: i32, %arg1: memref<16xi32, #tpu.memory_space<smem>>, %arg2: memref<1024x1024xf32, #tpu.memory_space<vmem>>, %arg3: memref<1x1024x1024xf32, #tpu.memory_space<vmem>>, %arg4: memref<1x1024x1024xf32, #tpu.memory_space<vmem>>, %arg5: memref<1x1x1024xf32, #tpu.memory_space<vmem>>, %arg6: memref<1x1x1024xf32, #tpu.memory_space<vmem>>, %arg7: memref<1024x1024xf32, #tpu.memory_space<vmem>>) attributes {dimension_semantics = [#tpu.dimension_semantics<arbitrary>], iteration_bounds = array<i64: 8>, scalar_prefetch = 1 : i64, scratch_operands = 0 : i64, tpu.core_type = #tpu.core_type<tc>, window_params = [{pipeline_mode = #tpu.pipeline_mode<double_buffered>, transform_indices = @transform_0, window_bounds = array<i64: 1024, 1024>}, {pipeline_mode = #tpu.pipeline_mode<synchronous>, transform_indices = @transform_1, window_bounds = array<i64: 1, 1024, 1024>}, {pipeline_mode = #tpu.pipeline_mode<synchronous>, transform_indices = @transform_2, window_bounds = array<i64: 1, 1024, 1024>}, {pipeline_mode = #tpu.pipeline_mode<synchronous>, transform_indices = @transform_3, window_bounds = array<i64: 1, 1, 1024>}, {pipeline_mode = #tpu.pipeline_mode<synchronous>, transform_indices = @transform_4, window_bounds = array<i64: 1, 1, 1024>}, {pipeline_mode = #tpu.pipeline_mode<double_buffered>, transform_indices = @transform_5, window_bounds = array<i64: 1024, 1024>}]} {
    %get3A = arith.constant 0 : index
    %get3A_0 = arith.constant 0 : index
    %get3A_1 = vector.load %arg2[%get3A, %get3A_0] : memref<1024x1024xf32, #tpu.memory_space<vmem>>, vector<1024x1024xf32>
    %get3A_2 = arith.constant 0 : index
    %get3A_3 = arith.constant 0 : index
    %get3A_4 = arith.constant 0 : index
    %get3A_5 = vector.load %arg3[%get3A_2, %get3A_3, %get3A_4] : memref<1x1024x1024xf32, #tpu.memory_space<vmem>>, vector<1x1024x1024xf32>
    %get3A_6 = vector.shape_cast %get3A_5 : vector<1x1024x1024xf32> to vector<1024x1024xf32>
    %dot_general3A = arith.constant dense<0.000000e+00> : vector<1024x1024xf32>
    %dot_general3A_7 = tpu.matmul %get3A_1, %get3A_6, %dot_general3A {dimension_numbers = #tpu.dot_dimension_numbers<[1], [0], [0], [1], [0, 0, 1, 1], [], []>, transpose_lhs_hint = false} : vector<1024x1024xf32>, vector<1024x1024xf32>, vector<1024x1024xf32> -> vector<1024x1024xf32>
    %get3A_8 = arith.constant 0 : index
    %get3A_9 = arith.constant 0 : index
    %get3A_10 = arith.constant 0 : index
    %get3A_11 = vector.load %arg4[%get3A_8, %get3A_9, %get3A_10] : memref<1x1024x1024xf32, #tpu.memory_space<vmem>>, vector<1x1024x1024xf32>
    %get3A_12 = vector.shape_cast %get3A_11 : vector<1x1024x1024xf32> to vector<1024x1024xf32>
    %dot_general3A_13 = arith.constant dense<0.000000e+00> : vector<1024x1024xf32>
    %dot_general3A_14 = tpu.matmul %get3A_1, %get3A_12, %dot_general3A_13 {dimension_numbers = #tpu.dot_dimension_numbers<[1], [0], [0], [1], [0, 0, 1, 1], [], []>, transpose_lhs_hint = false} : vector<1024x1024xf32>, vector<1024x1024xf32>, vector<1024x1024xf32> -> vector<1024x1024xf32>
    %get3A_15 = arith.constant 0 : index
    %get3A_16 = arith.constant 0 : index
    %get3A_17 = arith.constant 0 : index
    %get3A_18 = vector.load %arg5[%get3A_15, %get3A_16, %get3A_17] : memref<1x1x1024xf32, #tpu.memory_space<vmem>>, vector<1x1x1024xf32>
    %get3A_19 = vector.shape_cast %get3A_18 : vector<1x1x1024xf32> to vector<1024xf32>
    %broadcast_in_dim3A = vector.shape_cast %get3A_19 : vector<1024xf32> to vector<1x1024xf32>
    %add3A = vector.broadcast %broadcast_in_dim3A : vector<1x1024xf32> to vector<1024x1024xf32>
    %add3A_20 = arith.addf %dot_general3A_7, %add3A : vector<1024x1024xf32>
    %max3A = arith.constant 0.000000e+00 : f32
    %max3A_21 = vector.broadcast %max3A : f32 to vector<1024x1024xf32>
    %max3A_22 = arith.maximumf %add3A_20, %max3A_21 : vector<1024x1024xf32>
    %get3A_23 = arith.constant 0 : index
    %get3A_24 = arith.constant 0 : index
    %get3A_25 = arith.constant 0 : index
    %get3A_26 = vector.load %arg6[%get3A_23, %get3A_24, %get3A_25] : memref<1x1x1024xf32, #tpu.memory_space<vmem>>, vector<1x1x1024xf32>
    %get3A_27 = vector.shape_cast %get3A_26 : vector<1x1x1024xf32> to vector<1024xf32>
    %broadcast_in_dim3A_28 = vector.shape_cast %get3A_27 : vector<1024xf32> to vector<1x1024xf32>
    %add3A_29 = vector.broadcast %broadcast_in_dim3A_28 : vector<1x1024xf32> to vector<1024x1024xf32>
    %add3A_30 = arith.addf %dot_general3A_14, %add3A_29 : vector<1024x1024xf32>
    %max3A_31 = arith.constant 0.000000e+00 : f32
    %max3A_32 = vector.broadcast %max3A_31 : f32 to vector<1024x1024xf32>
    %max3A_33 = arith.maximumf %add3A_30, %max3A_32 : vector<1024x1024xf32>
    %add3A_34 = arith.addf %max3A_22, %max3A_33 : vector<1024x1024xf32>
    %swap3A = arith.constant 0 : index
    %swap3A_35 = arith.constant 0 : index
    %swap3A_36 = vector.load %arg7[%swap3A, %swap3A_35] : memref<1024x1024xf32, #tpu.memory_space<vmem>>, vector<1024x1024xf32>
    tpu.vector_store %arg7[%swap3A, %swap3A_35], %add3A_34 {strides = array<i32>} : memref<1024x1024xf32, #tpu.memory_space<vmem>>, vector<1024x1024xf32>,
    return
  }
  func.func @transform_0(%arg0: i32, %arg1: memref<16xi32, #tpu.memory_space<smem>>) -> (i32, i32) {
    %c0_i32 = arith.constant 0 : i32
    %c0_i32_0 = arith.constant 0 : i32
    return %arg0, %c0_i32 : i32, i32
  }
  func.func @transform_1(%arg0: i32, %arg1: memref<16xi32, #tpu.memory_space<smem>>) -> (i32, i32, i32) {
    %get3A = arith.constant 0 : index
    %get3A_0 = memref.load %arg1[%get3A] : memref<16xi32, #tpu.memory_space<smem>>
    %c0_i32 = arith.constant 0 : i32
    %c0_i32_1 = arith.constant 0 : i32
    %c0_i32_2 = arith.constant 0 : i32
    return %get3A_0, %c0_i32, %c0_i32_1 : i32, i32, i32
  }
  func.func @transform_2(%arg0: i32, %arg1: memref<16xi32, #tpu.memory_space<smem>>) -> (i32, i32, i32) {
    %get3A = arith.constant 1 : index
    %get3A_0 = memref.load %arg1[%get3A] : memref<16xi32, #tpu.memory_space<smem>>
    %c0_i32 = arith.constant 0 : i32
    %c0_i32_1 = arith.constant 0 : i32
    %c0_i32_2 = arith.constant 0 : i32
    return %get3A_0, %c0_i32, %c0_i32_1 : i32, i32, i32
  }
  func.func @transform_3(%arg0: i32, %arg1: memref<16xi32, #tpu.memory_space<smem>>) -> (i32, i32, i32) {
    %get3A = arith.constant 0 : index
    %get3A_0 = memref.load %arg1[%get3A] : memref<16xi32, #tpu.memory_space<smem>>
    %c0_i32 = arith.constant 0 : i32
    %c0_i32_1 = arith.constant 0 : i32
    %c0_i32_2 = arith.constant 0 : i32
    return %get3A_0, %c0_i32, %c0_i32_1 : i32, i32, i32
  }
  func.func @transform_4(%arg0: i32, %arg1: memref<16xi32, #tpu.memory_space<smem>>) -> (i32, i32, i32) {
    %get3A = arith.constant 1 : index
    %get3A_0 = memref.load %arg1[%get3A] : memref<16xi32, #tpu.memory_space<smem>>
    %c0_i32 = arith.constant 0 : i32
    %c0_i32_1 = arith.constant 0 : i32
    %c0_i32_2 = arith.constant 0 : i32
    return %get3A_0, %c0_i32, %c0_i32_1 : i32, i32, i32
  }
  func.func @transform_5(%arg0: i32, %arg1: memref<16xi32, #tpu.memory_space<smem>>) -> (i32, i32) {
    %c0_i32 = arith.constant 0 : i32
    %c0_i32_0 = arith.constant 0 : i32
    return %arg0, %c0_i32 : i32, i32
  }
}

</mosaic_0001>

<sc_bundles>
// kernel: kernel.4.cloned.1.call-start
scs
__scs_entry_jumppad:
0x0: {  	(pc) =	sbr.rel $0x88, $3  }
0x1: {  	(tag) =	ssettag $0x0;
	lr =	simm.s32 $0x1  }
0x2: {  	[smem:$0x3F9D] =	sst lr;
	_ =	strace $0xD0000000  }
0x3: {  	_ = 	snop  }
0x4: {  	_ = 	snop  }
0x5: {  	_ = 	snop  }
0x6: {  	_ = 	snop  }
0x7: {  	_ = 	snop  }
__scs_overlays_trampoline_lowered:
0x8: {  	[smem:$0x3FAC] =	sst s0  }
0x9: {  	[smem:$0x3FAD] =	sst s1  }
0xa: {  	[smem:$0x3FAE] =	sst s2  }
0xb: {  	[smem:$0x3FAF] =	sst s3  }
0xc: {  	[smem:$0x3FB0] =	sst s4  }
0xd: {  	[smem:$0x3FB1] =	sst s5  }
0xe: {  	[smem:$0x3FB2] =	sst s6  }
0xf: {  	[smem:$0x3FB3] =	sst s7  }
0x10: {  	[smem:$0x3FB4] =	sst s8  }
0x11: {  	[smem:$0x3FB5] =	sst s9;
	s0 =	simm.s32 @!p0 $0x0  }
0x12: {  	s1 =	sld [smem:$0x3F9B];
	s0 =	simm.s32 @p0 $0x1  }
0x13: {  	[smem:$0x3FB6] =	sst s0;
	s0 =	simm.s32 @!p1 $0x0  }
0x14: {  	s2 =	sld [smem:$0x3F9A];
	s0 =	simm.s32 @p1 $0x1  }
0x15: {  	[smem:$0x3FB7] =	sst s0;
	s0 =	simm.s32 @!p2 $0x0  }
0x16: {  	s3 =	sld [smem:$0x3FDB];
	s0 =	simm.s32 @p2 $0x1  }
0x17: {  	s4 =	simm.s32 $0x1BF5;
	[smem:$0x3FB9] =	sst s0  }
0x18: {  	s0 =	sld [smem:$0x3F9C];
	_ =	swait.ge [sflag:s4], $0x0  }
0x19: {  	s7 =	sld [smem:$0x3F9D]  }
0x1a: {  	s8 =	sadd.s32 $0xFFFFE003, lr  }
0x1b: {  	s9 =	sadd.s32 $0xFFFFFEF7, lr;
	s5 =	simm.s32 $0xFFFFFFFF;
	p2 =	slt.u32 s8, $0xFFFFF086  }
0x1c: {  	p1 =	slt.u32 s9, $0xF7A;
	s5 =	simm.s32 @!p2 $0x0  }
0x1d: {  	s5 =	simm.s32 @p1 $0x1;
	p0 =	seq.s32 s7, s2  }
0x1e: {  	s7 =	smul.u32 @!p0 $0xF7A, s2;
	p2 =	seq.s32 @!p0 s5, $0x0  }
0x1f: {  	s9 =	smul.u32 $0xF7A, s1;
	s8 =	simm.s32 @!p0 $0x1BF5;
	p2 =	por !p2, p0  }
0x20: {  	[sflag:s8] =	ssyncset.s32 @!p0 $0xFFFFF086;
	s6 =	sadd.s32 @!p0 s3, s7;
	s7 =	simm.s32 @!p0 $0x108  }
0x21: {  	s3 =	sadd.s32 s3, s9;
	s6 =	sadd.s32 @!p0 $0x88, s6;
	s7 =	simm.s32 @p2 $0x1082  }
0x22: {  	[simem:s7], [sflag:s8] =	dma.local @!p0 [hbm:s6], $0xF7A  }
0x23: {  	s9 =	sor.u32 $0xD0000000, s2;
	s6 =	simm.s32 $0x108;
	_ =	swait.ge @!p0 [sflag:s8], $0x0  }
0x24: {  	s3 =	sadd.s32 $0x88, s3;
	s6 =	simm.s32 @!p1 $0x1082;
	[sflag:s4] =	ssyncset.s32 $0xFFFFF086  }
0x25: {  	[simem:s6], [sflag:s4] =	dma.local [hbm:s3], $0xF7A  }
0x26: {  	[smem:$0x3F9D] =	sst s1;
	(tag) =	ssettag s2;
	_ =	strace s9  }
0x27: {  	s1 =	sld [smem:$0x3FAD]  }
0x28: {  	s2 =	sld [smem:$0x3FAE]  }
0x29: {  	s4 =	sld [smem:$0x3FB0]  }
0x2a: {  	p0 =	seq.s32 s5, $0x0;
	s5 =	sld [smem:$0x3FB1]  }
0x2b: {  	s6 =	sld [smem:$0x3FB2]  }
0x2c: {  	s7 =	sld [smem:$0x3FB3]  }
0x2d: {  	s3 =	simm.s32 $0x108;
	s8 =	sld [smem:$0x3FB4]  }
0x2e: {  	s3 =	simm.s32 @!p0 $0x1082;
	s9 =	sld [smem:$0x3FB5]  }
0x2f: {  	lr =	sadd.s32 s0, s3;
	s0 =	sld [smem:$0x3FAC]  }
0x30: {  	s3 =	sld [smem:$0x3FAF]  }
0x31: {  	[smem:$0x3FB8] =	sst s10  }
0x32: {  	s10 =	sld [smem:$0x3FB6];
	_ =	sdelay $0x3  }
0x33: {  	p0 =	seq.s32 s10, $0x1;
	s10 =	sld [smem:$0x3FB8];
	_ =	sdelay $0x3  }
0x34: {  	[smem:$0x3FB8] =	sst s10  }
0x35: {  	s10 =	sld [smem:$0x3FB7];
	_ =	sdelay $0x3  }
0x36: {  	p1 =	seq.s32 s10, $0x1;
	s10 =	sld [smem:$0x3FB8];
	_ =	sdelay $0x3  }
0x37: {  	[smem:$0x3FB8] =	sst s10  }
0x38: {  	s10 =	sld [smem:$0x3FB9]  }
0x39: {  	_ = 	snop;
	(pc) =	sbr.ind lr, $3  }
0x3a: {  	_ = 	snop  }
0x3b: {  	_ = 	snop  }
0x3c: {  	p2 =	seq.s32 s10, $0x1;
	s10 =	sld [smem:$0x3FB8]  }
0x3d: {  	_ =	shalt  }
0x3e: {  	_ =	shalt  }
0x3f: {  	_ =	shalt  }
0x40: {  	_ =	shalt  }
0x41: {  	_ =	shalt  }
0x42: {  	_ =	shalt  }
0x43: {  	_ =	shalt  }
0x44: {  	_ =	shalt  }
0x45: {  	_ =	shalt  }
0x46: {  	_ =	shalt  }
0x47: {  	_ =	shalt  }
0x48: {  	_ =	shalt  }
0x49: {  	_ =	shalt  }
0x4a: {  	_ =	shalt  }
0x4b: {  	_ =	shalt  }
0x4c: {  	_ =	shalt  }
0x4d: {  	_ =	shalt  }
0x4e: {  	_ =	shalt  }
0x4f: {  	_ =	shalt  }
0x50: {  	_ =	shalt  }
0x51: {  	_ =	shalt  }
0x52: {  	_ =	shalt  }
0x53: {  	_ =	shalt  }
0x54: {  	_ =	shalt  }
0x55: {  	_ =	shalt  }
0x56: {  	_ =	shalt  }
0x57: {  	_ =	shalt  }
0x58: {  	_ =	shalt  }
0x59: {  	_ =	shalt  }
0x5a: {  	_ =	shalt  }
0x5b: {  	_ =	shalt  }
0x5c: {  	_ =	shalt  }
0x5d: {  	_ =	shalt  }
0x5e: {  	_ =	shalt  }
0x5f: {  	_ =	shalt  }
0x60: {  	_ =	shalt  }
0x61: {  	_ =	shalt  }
0x62: {  	_ =	shalt  }
0x63: {  	_ =	shalt  }
0x64: {  	_ =	shalt  }
0x65: {  	_ =	shalt  }
0x66: {  	_ =	shalt  }
0x67: {  	_ =	shalt  }
0x68: {  	_ =	shalt  }
0x69: {  	_ =	shalt  }
0x6a: {  	_ =	shalt  }
0x6b: {  	_ =	shalt  }
0x6c: {  	_ =	shalt  }
0x6d: {  	_ =	shalt  }
0x6e: {  	_ =	shalt  }
0x6f: {  	_ =	shalt  }
0x70: {  	_ =	shalt  }
0x71: {  	_ =	shalt  }
0x72: {  	_ =	shalt  }
0x73: {  	_ =	shalt  }
0x74: {  	_ =	shalt  }
0x75: {  	_ =	shalt  }
0x76: {  	_ =	shalt  }
0x77: {  	_ =	shalt  }
0x78: {  	_ =	shalt  }
0x79: {  	_ =	shalt  }
0x7a: {  	_ =	shalt  }
0x7b: {  	_ =	shalt  }
0x7c: {  	_ =	shalt  }
0x7d: {  	_ =	shalt  }
0x7e: {  	_ =	shalt  }
0x7f: {  	_ =	shalt  }
0x80: {  	_ =	shalt  }
0x81: {  	_ =	shalt  }
0x82: {  	_ =	shalt  }
0x83: {  	_ =	shalt  }
0x84: {  	_ =	shalt  }
0x85: {  	_ =	shalt  }
0x86: {  	_ =	shalt  }
0x87: {  	_ =	shalt  }
.Lfunc_end0:
.L_simem_size_0:
called_computation_lowered:
.L_overlay_start_0:
0x88: {  	s2 =	sld [smem:$0x3FD9]  }
0x89: {  	s3 =	sld [smem:$0x3FFE];
	_ =	sdelay $0x1  }
0x8a: {  	s1 =	srdreg.scid  }
0x8b: {  	s0 =	sand.u32 $0x1, s1  }
0x8c: {  	s18 =	sshll.u32 s0, $0xA;
	s2 =	sadd.s32 s3, s2  }
0x8d: {  	s2 =	sadd.s32 s2, s18  }
0x8e: {  	[smem:$0x3FC4] =	sst s2  }
0x8f: {  	_ = 	snop  }
0x90: {  	s2 =	sld [smem:$0x3FC8]  }
0x91: {  	s19 =	sld [smem:$0x3FD0];
	(tm) =	ssettm $0x1  }
0x92: {  	s4 =	sld [smem:$0x3FFB];
	_ =	sdelay $0x3  }
0x93: {  	_ =	strace s4  }
0x94: {  	s4 =	sld [smem:$0x3FFC];
	_ =	sdelay $0x3  }
0x95: {  	_ =	strace s4  }
0x96: {  	s4 =	sld [smem:$0x3FFD];
	_ =	sdelay $0x3  }
0x97: {  	_ =	strace s4  }
0x98: {  	_ =	strace $0x8FFFFFFF  }
0x99: {  	s20 =	sld [smem:$0x3FDB];
	_ =	sdelay $0x1  }
0x9a: {  	s5 =	simm.s32 $_scs_section_size  }
0x9b: {  	s6 =	simm.s32 $_size__tile_overlayer_lowered;
	s7 =	simm.s32 $_tile_overlayer_lowered  }
0x9c: {  	s23 =	simm.s32 $0x1BFF;
	s22 =	sshll.u32 s7, $0x1;
	s4 =	sadd.s32 s5, s20  }
0x9d: {  	s8 =	simm.s32 $0x0;
	s21 =	sshll.u32 s6, $0x1;
	s6 =	sadd.s32 s22, s4  }
0x9e: {  	[timem:s8], [sflag:s23] =	dma.local [hbm:s6], s21  }
0x9f: {  	_ =	swait.ge [sflag:s23], s21  }
0xa0: {  	s5 =	ssub.s32 $0x0, s21;
	[sflag:s23] =	ssyncset.done $0x0  }
0xa1: {  	[sflag:s23] =	ssyncadd.s32 s5;
	_ =	sdelay $0x1  }
0xa2: {  	s24 =	simm.s32 $0x1B8B  }
0xa3: {  	_ =	swait.ge [sflag:s24], $0x1  }
0xa4: {  	[sflag:s24] =	ssyncset.done $0x0  }
0xa5: {  	s25 =	simm.s32 $0x1B8E;
	[sflag:s24] =	ssyncadd.s32 $0xFFFFFFFF  }
0xa6: {  	s26 =	simm.s32 $execute0_lowered;
	[smem:$0x3FD2] =	sst s25  }
0xa7: {  	s5 =	sshll.u32 s26, $0x1;
	_ =	strace $0x80000046;
	[dreg:$0x1] =	wrdreg $0xFFFFFFFF  }
0xa8: {  	s28 =	simm.s32 $_size_execute0_lowered;
	s4 =	sadd.s32 s4, s5;
	[dreg:$0x0] =	wrdreg $0x0  }
0xa9: {  	s5 =	sshll.u32 s28, $0x1;
	[dreg:$0x2] =	wrdreg s4  }
0xaa: {  	[dreg:$0x3] =	wrdreg s5  }
0xab: {  	[dreg:$0x4] =	wrdreg $0xC0  }
0xac: {  	_ =	task [dreg:s8], $0x5FFFF  }
0xad: {  	[dreg:$0x1] =	wrdreg $0xFFFFFFFF  }
0xae: {  	[dreg:$0x0] =	wrdreg $0x60  }
0xaf: {  	[dreg:$0x2] =	wrdreg s2  }
0xb0: {  	[dreg:$0x3] =	wrdreg s19  }
0xb1: {  	[dreg:$0x4] =	wrdreg $0x9  }
0xb2: {  	_ =	task.clear_ibuf [dreg:s8], $0x5FFFF;
	_ =	strace $0x90000046  }
0xb3: {  	s29 =	simm.s32 $0x9;
	_ =	strace $0x80000048  }
0xb4: {  	_ =	swait.ge [sflag:s29], $0x1  }
0xb5: {  	[sflag:s29] =	ssyncadd.s32 $0xFFFFFFFF  }
0xb6: {  	_ =	strace $0x90000048  }
0xb7: {  	_ =	sfence  }
0xb8: {  	s30 =	sld [smem:$0x0];
	_ =	sdelay $0x2  }
0xb9: {  	s31 =	sshll.u32 s1, $0xD;
	s1 =	sshrl.u32 s1, $0x2  }
0xba: {  	s3 =	sand.u32 $0x4000, s31;
	s1 =	sadd.s32 s1, s30  }
0xbb: {  	s0 =	sor.u32 s3, s0;
	s1 =	sshll.u32 s1, $0x11  }
0xbc: {  	s0 =	sor.u32 s1, s0  }
0xbd: {  	s0 =	sadd.s32 $0x8F2B, s0  }
0xbe: {  	[sflag:s0] =	ssyncadd.remote.s32 $0x1  }
0xbf: {  	_ =	sfence.sel $0xFFFF  }
0xc0: {  	[dreg:$0x0] =	wrdreg $0xFFFFFFFF;
	(pc) =	sbr.abs _section_cstart, $3  }
0xc1: {  	[dreg:$0x1] =	wrdreg $0xFFFFFFFF  }
0xc2: {  	_ =	task.clear_ibuf [dreg:s8], $0x2FFFF;
	_ =	strace $0x9FFFFFFF  }
0xc3: {  	(tm) =	ssettm $0x7FFFFFFF  }
tec
execute0_lowered:
.L_overlay_start_1:
0x0: {  	(tag) =	ssettag $0x1  }
0x1: {  	s0 =	rddreg [dreg:$0x0];
	s31 =	srdreg.scid  }
0x2: {  	[dreg:$0x3] =	wrdreg s0;
	s4 =	sand.u32 $0x1, s31;
	s0 =	stileid.u32  }
0x3: {  	s2 =	sor.u32 s0, s4  }
0x4: {  	p0 =	sne.s32 s2, $0x0  }
.Ltmp0:
0x5: {  	_ = 	snop;
	(pc) =	sbr.rel @p0 .LBB2_4-.Ltmp0, $4  }
0x6: {  	_ = 	snop  }
0x7: {  	s1 =	rddreg [dreg:$0x1]  }
0x8: {  	[dreg:$0x4] =	wrdreg s1  }
0x9: {  	s1 =	rddreg [dreg:$0x2];
	_ =	strace $0x80000047  }
0xa: {  	s5 =	rddreg [dreg:$0x3];
	s6 =	simm.s32 $0x80  }
0xb: {  	s3 =	simm.s32 $0x0;
	s2 =	simm.s32 $0x1;
	[dreg:$0x5] =	wrdreg s6  }
0xc: {  	[tilespmem:s3], [sflag:$0x1] =	stream.linear.gather [hbm4b:s5+s3], $0x8, $0x38;
	[tilespmem:$0x100] =	vst v63  }
0xd: {  	_ =	swait.ge [sflag:s2], $0x8  }
0xe: {  	[sflag:s2] =	ssyncset.done $0x0  }
0xf: {  	[sflag:s2] =	ssyncadd.s32 $0xFFFFFFF8  }
0x10: {  	v0 =	vld [tilespmem:$0x0];
	_ =	sdelay $0x4  }
0x11: {  	(v2sf) =	vpush v0, $0x0;
	_ =	sdelay $0x1  }
0x12: {  	(v2sf) =	vpush v0, $0x1;
	_ =	sdelay $0x1  }
0x13: {  	(v2sf) =	vpush v0, $0x3  }
0x14: {  	(v2sf) =	vpush v0, $0x5  }
0x15: {  	(v2sf) =	vpush v0, $0x2;
	_ =	sdelay $0x2  }
0x16: {  	(v2sf) =	vpush v0, $0x7;
	_ =	sdelay $0x4  }
0x17: {  	(v2sf) =	vpush v0, $0x4  }
0x18: {  	s7 =	spop (v2sf)  }
0x19: {  	p0 =	sgt.f32 s7, $-Inf  }
0x1a: {  	s5 =	spop (v2sf)  }
0x1b: {  	p2 =	sgt.f32 s5, $-Inf;
	s7 =	simm.s32 @!p0 $0xFF800000  }
0x1c: {  	s8 =	spop (v2sf);
	s6 =	smov.u32 s5;
	p3 =	sgt.f32 s5, s7  }
0x1d: {  	(v2sf) =	vpush v0, $0x6;
	s9 =	spop (v2sf);
	s6 =	simm.s32 @!p2 $0xFF800000  }
0x1e: {  	s4 =	ssub.s32 $0x2, s4;
	s10 =	spop (v2sf);
	s6 =	smov.u32 @p3 s7  }
0x1f: {  	s31 =	sshrl.u32 s4, $0x1;
	s7 =	smov.u32 @p3 s5;
	p1 =	sgt.f32 s10, s6  }
0x20: {  	s12 =	simm.s32 $0x1;
	s4 =	ssub.s32 s4, s31;
	p0 =	sgt.f32 s10, s7  }
0x21: {  	s11 =	spop (v2sf);
	p4 =	por !p3, !p3;
	s6 =	smov.u32 @p1 s10  }
0x22: {  	s12 =	simm.s32 @!p3 $0x0;
	s5 =	simm.s32 $0x1;
	s6 =	smov.u32 @p0 s7  }
0x23: {  	p6 =	por !p2, !p4;
	s7 =	smov.u32 @p0 s10;
	p2 =	sgt.f32 s8, s6  }
0x24: {  	s13 =	smov.u32 s12;
	p4 =	por !p6, !p6;
	p3 =	sgt.f32 s8, s7  }
0x25: {  	s13 =	simm.s32 @p0 $0x2;
	s5 =	simm.s32 @!p4 $0x0;
	s6 =	smov.u32 @p2 s8  }
0x26: {  	p4 =	sne.s32 s4, $0x1;
	s10 =	spop (v2sf);
	s6 =	smov.u32 @p3 s7  }
0x27: {  	s5 =	simm.s32 @p1 $0x2;
	s7 =	smov.u32 @p3 s8;
	p1 =	sgt.f32 s10, s6  }
0x28: {  	s14 =	smov.u32 s13;
	s5 =	smov.u32 @p0 s12;
	p0 =	sgt.f32 s10, s7  }
0x29: {  	s14 =	simm.s32 @p3 $0x3;
	s5 =	simm.s32 @p2 $0x3;
	s6 =	smov.u32 @p1 s10  }
0x2a: {  	s5 =	smov.u32 @p3 s13;
	s6 =	smov.u32 @p0 s7;
	s7 =	smov.u32 @p0 s10  }
0x2b: {  	s5 =	simm.s32 @p1 $0x4;
	p1 =	sgt.f32 s9, s6;
	p3 =	sgt.f32 s9, s7  }
0x2c: {  	s8 =	spop (v2sf);
	s5 =	smov.u32 @p0 s14;
	s10 =	smov.u32 s7  }
0x2d: {  	s14 =	simm.s32 @p0 $0x4;
	s6 =	smov.u32 @p1 s9;
	s10 =	smov.u32 @p3 s9  }
0x2e: {  	s5 =	simm.s32 @p1 $0x5;
	s6 =	smov.u32 @p3 s7;
	p0 =	sgt.f32 s8, s10  }
0x2f: {  	s7 =	smov.u32 s14;
	s5 =	smov.u32 @p3 s14;
	p2 =	sgt.f32 s8, s6  }
.Ltmp1:
0x30: {  	s9 =	smov.u32 s10;
	s7 =	simm.s32 @p3 $0x5;
	(pc) =	sbr.rel @!p4 .LBB2_3-.Ltmp1, $4  }
0x31: {  	s9 =	smov.u32 @p0 s8;
	s6 =	smov.u32 @p2 s8;
	s8 =	smov.u32 s7  }
0x32: {  	p1 =	sgt.f32 s11, s9;
	s6 =	smov.u32 @p0 s10;
	s8 =	simm.s32 @p0 $0x6  }
0x33: {  	s5 =	simm.s32 @p2 $0x6;
	p3 =	sgt.f32 s11, s6;
	s6 =	smov.u32 s8  }
0x34: {  	vm1 =	vcmask $0x300;
	vm0 =	vcmask $0x704;
	s4 =	sadd.s32 $0xFFFFFFFF, s4;
	s5 =	smov.u32 @p0 s7;
	s6 =	simm.s32 @p1 $0x7  }
.LBB2_2:
0x35: {  	s5 =	simm.s32 @p3 $0x7;
	v0 =	vmov s6  }
0x36: {  	s5 =	smov.u32 @p1 s8;
	v0 =	vnsel vm1, $0x0, v0  }
0x37: {  	s29 =	rddreg [dreg:$0x5];
	v0 =	vsel vm0, s5, v0  }
0x38: {  	s7 =	rddreg [dreg:$0x4];
	[tilespmem:$0x80] =	vst v0  }
0x39: {  	[hbm4b:s7+s3] =	stream.linear.scatter [tilespmem:s29], [sflag:$0x1], $0x80, $0x38;
	[tilespmem:$0x100] =	vst v63  }
0x3a: {  	_ =	swait.ge [sflag:s2], $0x80  }
0x3b: {  	[sflag:s2] =	ssyncset.done $0x0  }
0x3c: {  	s30 =	rddreg [dreg:$0x3];
	[sflag:s2] =	ssyncadd.s32 $0xFFFFFF80  }
0x3d: {  	[tilespmem:s3], [sflag:$0x1] =	stream.linear.gather [hbm4b:s30+s3], $0x8, $0x38;
	[tilespmem:$0x100] =	vst v63  }
0x3e: {  	_ =	swait.ge [sflag:s2], $0x8  }
0x3f: {  	[sflag:s2] =	ssyncset.done $0x0  }
0x40: {  	[sflag:s2] =	ssyncadd.s32 $0xFFFFFFF8  }
0x41: {  	v63 =	vld [tilespmem:$0x0];
	_ =	sdelay $0x4  }
0x42: {  	(v2sf) =	vpush v63, $0x0;
	_ =	sdelay $0x1  }
0x43: {  	(v2sf) =	vpush v63, $0x1;
	_ =	sdelay $0x1  }
0x44: {  	(v2sf) =	vpush v63, $0x3  }
0x45: {  	(v2sf) =	vpush v63, $0x5  }
0x46: {  	(v2sf) =	vpush v63, $0x2;
	_ =	sdelay $0x3  }
0x47: {  	(v2sf) =	vpush v63, $0x7;
	_ =	sdelay $0x1  }
0x48: {  	(v2sf) =	vpush v63, $0x4;
	_ =	sdelay $0x2  }
0x49: {  	s9 =	spop (v2sf)  }
0x4a: {  	p1 =	sgt.f32 s9, $-Inf  }
0x4b: {  	s5 =	spop (v2sf)  }
0x4c: {  	s9 =	simm.s32 @!p1 $0xFF800000;
	p1 =	sgt.f32 s5, $-Inf  }
0x4d: {  	s10 =	spop (v2sf);
	s6 =	smov.u32 s5;
	p2 =	sgt.f32 s5, s9  }
0x4e: {  	s12 =	simm.s32 $0x1;
	s8 =	spop (v2sf);
	(v2sf) =	vpush v63, $0x6;
	s6 =	simm.s32 @!p1 $0xFF800000  }
0x4f: {  	s11 =	spop (v2sf);
	p6 =	por !p2, !p2;
	s6 =	smov.u32 @p2 s9  }
0x50: {  	s9 =	smov.u32 @p2 s5;
	p3 =	por !p1, !p6;
	p1 =	sgt.f32 s11, s6  }
0x51: {  	s12 =	simm.s32 @!p2 $0x0;
	p2 =	sgt.f32 s11, s9  }
0x52: {  	p0 =	sne.s32 s4, $0x1;
	s6 =	smov.u32 @p1 s11  }
0x53: {  	s31 =	spop (v2sf);
	s5 =	simm.s32 $0x1;
	s6 =	smov.u32 @p2 s9  }
0x54: {  	p5 =	por !p3, !p3;
	s9 =	smov.u32 @p2 s11;
	p4 =	sgt.f32 s10, s6  }
0x55: {  	s13 =	spop (v2sf);
	s5 =	simm.s32 @!p5 $0x0;
	p3 =	sgt.f32 s10, s9  }
0x56: {  	s11 =	smov.u32 s12;
	s5 =	simm.s32 @p1 $0x2;
	s6 =	smov.u32 @p4 s10  }
0x57: {  	s11 =	simm.s32 @p2 $0x2;
	s6 =	smov.u32 @p3 s9;
	s9 =	smov.u32 @p3 s10  }
0x58: {  	s5 =	smov.u32 @p2 s12;
	p1 =	sgt.f32 s13, s6;
	p2 =	sgt.f32 s13, s9  }
0x59: {  	s14 =	smov.u32 s11;
	s5 =	simm.s32 @p4 $0x3;
	s10 =	smov.u32 s9  }
0x5a: {  	s5 =	smov.u32 @p3 s11;
	s6 =	smov.u32 @p1 s13;
	s10 =	smov.u32 @p2 s13  }
0x5b: {  	s5 =	simm.s32 @p1 $0x4;
	s6 =	smov.u32 @p2 s9;
	p1 =	sgt.f32 s8, s10  }
0x5c: {  	s14 =	simm.s32 @p3 $0x3;
	s11 =	smov.u32 s10;
	p3 =	sgt.f32 s8, s6  }
0x5d: {  	s9 =	spop (v2sf);
	s5 =	smov.u32 @p2 s14;
	s11 =	smov.u32 @p1 s8  }
0x5e: {  	s14 =	simm.s32 @p2 $0x4;
	s6 =	smov.u32 @p3 s8;
	p2 =	sgt.f32 s9, s11  }
0x5f: {  	s5 =	simm.s32 @p3 $0x5;
	s8 =	smov.u32 s11;
	s6 =	smov.u32 @p1 s10  }
0x60: {  	s10 =	smov.u32 s14;
	s5 =	smov.u32 @p1 s14;
	p3 =	sgt.f32 s9, s6  }
.Ltmp2:
0x61: {  	s10 =	simm.s32 @p1 $0x5;
	s8 =	smov.u32 @p2 s9;
	(pc) =	sbr.rel @p0 .LBB2_2-.Ltmp2, $4  }
0x62: {  	p1 =	sgt.f32 s31, s8;
	s8 =	smov.u32 s10;
	s6 =	smov.u32 @p3 s9  }
0x63: {  	s8 =	simm.s32 @p2 $0x6;
	s6 =	smov.u32 @p2 s11  }
0x64: {  	s5 =	simm.s32 @p3 $0x6;
	p3 =	sgt.f32 s31, s6;
	s6 =	smov.u32 s8  }
0x65: {  	s4 =	sadd.s32 $0xFFFFFFFF, s4;
	s5 =	smov.u32 @p2 s10;
	s6 =	simm.s32 @p1 $0x7  }
.LBB2_3:
0x66: {  	s5 =	simm.s32 @p3 $0x7;
	v0 =	vmov s6  }
0x67: {  	s5 =	smov.u32 @p1 s8;
	v0 =	vnsel vm1, $0x0, v0  }
0x68: {  	s4 =	rddreg [dreg:$0x5];
	v0 =	vsel vm0, s5, v0  }
0x69: {  	s31 =	rddreg [dreg:$0x4];
	[tilespmem:$0x80] =	vst v0  }
0x6a: {  	[hbm4b:s31+s3] =	stream.linear.scatter [tilespmem:s4], [sflag:$0x1], $0x80, $0x38;
	[tilespmem:$0x100] =	vst v63  }
0x6b: {  	_ =	swait.ge [sflag:s2], $0x80  }
0x6c: {  	[sflag:s2] =	ssyncset.done $0x0  }
0x6d: {  	[sflag:s2] =	ssyncadd.s32 $0xFFFFFF80  }
.LBB2_4:
0x6e: {  	_ =	sfence.sel $0x180000  }
0x6f: {  	[bflag:$0x0] =	sbarrier.arrive $0xFFFF  }
0x70: {  	p0 =	sne.s32 s0, $0x0;
	_ =	strace $0x90000047  }
0x71: {  	s0 =	sadd.s32 @!p0 $0x100000, s1;
	[bflag:$0x2] =	sbarrier.arrive $0xFFFF  }
0x72: {  	[sflag:s0] =	ssyncadd.tile.s32 @!p0 $0x1;
	_ =	shalt  }
.Lfunc_end2:
_tile_overlayer_lowered:
.L_overlay_start_2:
0x73: {  	(tag) =	ssettag $0x2  }
0x74: {  	s0 =	rddreg [dreg:$0x0];
	s2 =	stileid.u32  }
0x75: {  	s1 =	rddreg [dreg:$0x1];
	p0 =	sne.s32 s2, $0x0  }
0x76: {  	s3 =	rddreg [dreg:$0x2];
	[bflag:$0x3] =	sbarrier.arrive $0xFFFF;
	s2 =	simm.s32 @!p0 $0x1C01  }
0x77: {  	[timem:s3], [sflag:s2] =	dma.local @!p0 [hbm:s0], s1  }
0x78: {  	s0 =	simm.s32 @!p0 $0x1  }
0x79: {  	_ =	swait.ge @!p0 [sflag:s0], s1  }
0x7a: {  	s1 =	ssub.s32 @!p0 $0x0, s1;
	[sflag:s0] =	ssyncset.done @!p0 $0x0  }
0x7b: {  	[sflag:s0] =	ssyncadd.s32 @!p0 s1  }
0x7c: {  	[bflag:$0x3] =	sbarrier.arrive $0xFFFF  }
0x7d: {  	_ =	shalt  }

</sc_bundles>
